<compile_context>
chip_gen: v7x
topology: tpu7x:2x2x1
jax: 0.10.2.dev20260603
libtpu: 0.0.44.dev20260713+nightly
codegen_flags: <defaults>
</compile_context>

<pallas_src>
import functools

import jax
import jax.numpy as jnp
from jax import lax
from jax.experimental import pallas as pl
from jax.experimental.pallas import tpu as pltpu
from jax.experimental.pallas import tpu_sc as plsc

D = 32
CH = 3200
NC = 2
NS = 16
NW = NC * NS

CBLK = 10000


def _combine_body(a_ref, b_ref, o_ref):
    o_ref[...] = a_ref[...] + b_ref[...]


def _combine(token_table, pos_table):
    V = token_table.shape[0]
    return pl.pallas_call(
        _combine_body,
        grid=(V // CBLK,),
        in_specs=[
            pl.BlockSpec((CBLK, D), lambda i: (i, 0)),
            pl.BlockSpec((CBLK, D), lambda i: (i, 0)),
        ],
        out_specs=pl.BlockSpec((CBLK, D), lambda i: (i, 0)),
        out_shape=jax.ShapeDtypeStruct((V, D), jnp.float32),
    )(token_table, pos_table)


@functools.partial(jax.jit, static_argnums=(0,))
def _lookup_add(B, idx_flat, token_table, pos_table):
    combined = _combine(token_table, pos_table)

    b_per_w = B // NW
    n_chunks = b_per_w // CH
    mesh = plsc.VectorSubcoreMesh(core_axis_name="c", subcore_axis_name="s")

    @functools.partial(
        pl.kernel,
        out_type=jax.ShapeDtypeStruct((B, D), jnp.float32),
        mesh=mesh,
        compiler_params=pltpu.CompilerParams(use_tc_tiling_on_sc=False),
        scratch_types=[
            pltpu.VMEM((CH,), jnp.int32),
            pltpu.VMEM((CH, D), jnp.float32),
            pltpu.SemaphoreType.DMA,
        ],
    )
    def k(idx_hbm, tab_hbm, out_hbm, idx_v, buf, sem):
        wid = lax.axis_index("s") * NC + lax.axis_index("c")
        w_base = wid * b_per_w

        def chunk_body(c, carry):
            base = pl.multiple_of(w_base + c * CH, CH)
            pltpu.sync_copy(idx_hbm.at[pl.ds(base, CH)], idx_v)
            pltpu.async_copy(tab_hbm.at[idx_v], buf, sem).wait()
            pltpu.sync_copy(buf, out_hbm.at[pl.ds(base, CH)])
            return carry

        lax.fori_loop(0, n_chunks, chunk_body, 0)

    return k(idx_flat, combined)


def kernel(x, token_table, pos_table):
    batch, seq = x.shape
    B = batch * seq
    out = _lookup_add(B, x.reshape(B), token_table, pos_table)
    return out.reshape(batch, seq, D)

# --- scband reference (transcript-rebuilt; emitter-appended) ---
"""Pipeline reference for scband-tbertembedding-11854109737496 (READ-ONLY COPY).

The authoritative reference and input builder live on the scoring server;
editing this copy changes nothing except your own understanding.
"""

import jax, jax.numpy as jnp
import numpy as np

VOCAB = 1000000
EMBED = 32
BATCH = 4096
SEQ = 200

def setup_inputs(seed: int = 0) -> dict:
    key = jax.random.key(seed)
    k1, k2, k3 = jax.random.split(key, 3)
    x = jax.random.randint(k1, (BATCH, SEQ), 0, VOCAB, dtype=jnp.int32)
    token_table = jax.random.normal(k2, (VOCAB, EMBED), dtype=jnp.float32) * 0.02
    token_table = token_table.at[0].set(0.0)  # padding_idx=0
    pos_table = jax.random.normal(k3, (VOCAB, EMBED), dtype=jnp.float32) * 0.02
    return {"x": x, "token_table": token_table, "pos_table": pos_table}

def reference(x, token_table, pos_table):
    # token_embed = self.token_embed(x)
    token_embed = jnp.take(token_table, x, axis=0)
    # pos_embed = self.encoding_layer(x)  (encoding_layer is an nn.Embedding)
    pos_embed = jnp.take(pos_table, x, axis=0)
    return token_embed + pos_embed

if __name__ == "__main__":
    import jax
    _d = setup_inputs()
    print(jax.jit(kernel)(*tuple(_d.values())))

</pallas_src>

<mosaic_0001>
#map = affine_map<(d0, d1) -> (0)>
#map1 = affine_map<(d0, d1) -> (0, 0)>
module attributes {stable_mosaic.version = 14 : i64} {
  func.func @k(%arg0: i32, %arg1: i32, %arg2: memref<819200xi32, #tpu.memory_space<hbm>>, %arg3: memref<1000000x32xf32, #tpu.memory_space<hbm>>, %arg4: memref<819200x32xf32, #tpu.memory_space<hbm>>, %arg5: memref<3200xi32, #tpu.memory_space<vmem>>, %arg6: memref<3200x32xf32, #tpu.memory_space<vmem>>, %arg7: memref<!tpu.dma_semaphore, #tpu.memory_space<semaphore_mem>>) attributes {dimension_semantics = [#tpu.dimension_semantics<core_parallel>, #tpu.dimension_semantics<subcore_parallel>], iteration_bounds = array<i64: 2, 16>, scalar_prefetch = 0 : i64, scratch_operands = 3 : i64, tpu.core_type = #tpu.core_type<sc_vector_subcore>, window_params = [{transform_indices = #map}, {transform_indices = #map1}, {transform_indices = #map1}]} {
    %mul3A = arith.constant 2 : i32
    %mul3A_0 = arith.muli %arg1, %mul3A : i32
    %add3A = arith.addi %mul3A_0, %arg0 : i32
    %mul3A_1 = arith.constant 25600 : i32
    %mul3A_2 = arith.muli %add3A, %mul3A_1 : i32
    %scan3A = arith.constant 0 : i32
    %scan3A_3 = arith.constant 0 : i32
    %scan3A_4 = arith.constant 8 : i32
    %scan3A_5 = arith.addi %scan3A_3, %scan3A_4 : i32
    %scan3A_6 = arith.constant 1 : i32
    scf.for %scan3A_8 = %scan3A_3 to %scan3A_5 step %scan3A_6  : i32 {
      %mul3A_9 = arith.constant 3200 : i32
      %mul3A_10 = arith.muli %scan3A_8, %mul3A_9 : i32
      %add3A_11 = arith.addi %mul3A_2, %mul3A_10 : i32
      %multiple_of3A = tpu.assume_multiple %add3A_11, 3200 : i32
      "tpu.region"() ({
        %run_scoped3A = tpu.sem_alloc : memref<!tpu.dma_semaphore, #tpu.memory_space<semaphore_mem>>
        %dma_start3A_16 = tpu.memref_slice %arg2[%multiple_of3A] : memref<819200xi32, #tpu.memory_space<hbm>> -> memref<3200xi32, #tpu.memory_space<hbm>>
        %dma_start3A_17 = tpu.memref_slice %arg2[%multiple_of3A] : memref<819200xi32, #tpu.memory_space<hbm>> -> memref<3200xi32, #tpu.memory_space<hbm>>
        tpu.enqueue_dma source(%dma_start3A_17 : memref<3200xi32, #tpu.memory_space<hbm>>) target(%arg5 : memref<3200xi32, #tpu.memory_space<vmem>>) target_semaphore(%run_scoped3A : memref<!tpu.dma_semaphore, #tpu.memory_space<semaphore_mem>>)
        %dma_wait3A_18 = tpu.memref_slice %arg2[%multiple_of3A] : memref<819200xi32, #tpu.memory_space<hbm>> -> memref<3200xi32, #tpu.memory_space<hbm>>
        %dma_wait3A_19 = tpu.memref_slice %arg2[%multiple_of3A] : memref<819200xi32, #tpu.memory_space<hbm>> -> memref<3200xi32, #tpu.memory_space<hbm>>
        tpu.wait_dma2 semaphore(%run_scoped3A : memref<!tpu.dma_semaphore, #tpu.memory_space<semaphore_mem>>) src(%dma_wait3A_19 : memref<3200xi32, #tpu.memory_space<hbm>>) dst(%arg5 : memref<3200xi32, #tpu.memory_space<vmem>>)
        tpu.yield
      }) : () -> ()
      %dma_start3A = arith.constant 0 : i32
      %dma_start3A_12 = arith.constant 0 : i32
      %dma_start3A_13 = tpu.memref_slice %arg3[%dma_start3A, %dma_start3A_12] : memref<1000000x32xf32, #tpu.memory_space<hbm>> -> memref<1000000x32xf32, #tpu.memory_space<hbm>>
      tpu.enqueue_indirect_dma source(%dma_start3A_13 : memref<1000000x32xf32, #tpu.memory_space<hbm>>) target(%arg6 : memref<3200x32xf32, #tpu.memory_space<vmem>>) offsets(%arg5 : memref<3200xi32, #tpu.memory_space<vmem>>) semaphore(%arg7 : memref<!tpu.dma_semaphore, #tpu.memory_space<semaphore_mem>>)
      %dma_wait3A = arith.constant 0 : i32
      %dma_wait3A_14 = arith.constant 0 : i32
      %dma_wait3A_15 = tpu.memref_slice %arg3[%dma_wait3A, %dma_wait3A_14] : memref<1000000x32xf32, #tpu.memory_space<hbm>> -> memref<1000000x32xf32, #tpu.memory_space<hbm>>
      tpu.wait_indirect_dma semaphore(%arg7 : memref<!tpu.dma_semaphore, #tpu.memory_space<semaphore_mem>>) src(%dma_wait3A_15 : memref<1000000x32xf32, #tpu.memory_space<hbm>>) dst(%arg6 : memref<3200x32xf32, #tpu.memory_space<vmem>>)
      "tpu.region"() ({
        %run_scoped3A = tpu.sem_alloc : memref<!tpu.dma_semaphore, #tpu.memory_space<semaphore_mem>>
        %dma_start3A_16 = arith.constant 0 : i32
        %dma_start3A_17 = tpu.memref_slice %arg4[%multiple_of3A, %dma_start3A_16] : memref<819200x32xf32, #tpu.memory_space<hbm>> -> memref<3200x32xf32, #tpu.memory_space<hbm>>
        %dma_start3A_18 = arith.constant 0 : i32
        %dma_start3A_19 = tpu.memref_slice %arg4[%multiple_of3A, %dma_start3A_18] : memref<819200x32xf32, #tpu.memory_space<hbm>> -> memref<3200x32xf32, #tpu.memory_space<hbm>>
        tpu.enqueue_dma source(%arg6 : memref<3200x32xf32, #tpu.memory_space<vmem>>) target(%dma_start3A_19 : memref<3200x32xf32, #tpu.memory_space<hbm>>) target_semaphore(%run_scoped3A : memref<!tpu.dma_semaphore, #tpu.memory_space<semaphore_mem>>)
        %dma_wait3A_20 = arith.constant 0 : i32
        %dma_wait3A_21 = tpu.memref_slice %arg4[%multiple_of3A, %dma_wait3A_20] : memref<819200x32xf32, #tpu.memory_space<hbm>> -> memref<3200x32xf32, #tpu.memory_space<hbm>>
        %dma_wait3A_22 = arith.constant 0 : i32
        %dma_wait3A_23 = tpu.memref_slice %arg4[%multiple_of3A, %dma_wait3A_22] : memref<819200x32xf32, #tpu.memory_space<hbm>> -> memref<3200x32xf32, #tpu.memory_space<hbm>>
        tpu.wait_dma2 semaphore(%run_scoped3A : memref<!tpu.dma_semaphore, #tpu.memory_space<semaphore_mem>>) src(%arg6 : memref<3200x32xf32, #tpu.memory_space<vmem>>) dst(%dma_wait3A_23 : memref<3200x32xf32, #tpu.memory_space<hbm>>)
        tpu.yield
      }) : () -> ()
    }
    %scan3A_7 = arith.constant 8 : i32
    return
  }
}

module attributes {stable_mosaic.version = 14 : i64} {
  func.func @_combine_body(%arg0: i32, %arg1: memref<10000x32xf32, #tpu.memory_space<vmem>>, %arg2: memref<10000x32xf32, #tpu.memory_space<vmem>>, %arg3: memref<10000x32xf32, #tpu.memory_space<vmem>>) attributes {dimension_semantics = [#tpu.dimension_semantics<arbitrary>], iteration_bounds = array<i64: 100>, scalar_prefetch = 0 : i64, scratch_operands = 0 : i64, tpu.core_type = #tpu.core_type<tc>, window_params = [{transform_indices = @transform_0, window_bounds = array<i64: 10000, 32>}, {transform_indices = @transform_1, window_bounds = array<i64: 10000, 32>}, {transform_indices = @transform_2, window_bounds = array<i64: 10000, 32>}]} {
    %get3A = arith.constant 0 : index
    %get3A_0 = arith.constant 0 : index
    %get3A_1 = vector.load %arg1[%get3A, %get3A_0] : memref<10000x32xf32, #tpu.memory_space<vmem>>, vector<10000x32xf32>
    %get3A_2 = arith.constant 0 : index
    %get3A_3 = arith.constant 0 : index
    %get3A_4 = vector.load %arg2[%get3A_2, %get3A_3] : memref<10000x32xf32, #tpu.memory_space<vmem>>, vector<10000x32xf32>
    %add3A = arith.addf %get3A_1, %get3A_4 : vector<10000x32xf32>
    %swap3A = arith.constant 0 : index
    %swap3A_5 = arith.constant 0 : index
    %swap3A_6 = vector.load %arg3[%swap3A, %swap3A_5] : memref<10000x32xf32, #tpu.memory_space<vmem>>, vector<10000x32xf32>
    tpu.vector_store %arg3[%swap3A, %swap3A_5], %add3A {strides = array<i32>} : memref<10000x32xf32, #tpu.memory_space<vmem>>, vector<10000x32xf32>,
    return
  }
  func.func @transform_0(%arg0: i32) -> (i32, i32) {
    %c0_i32 = arith.constant 0 : i32
    %c0_i32_0 = arith.constant 0 : i32
    return %arg0, %c0_i32 : i32, i32
  }
  func.func @transform_1(%arg0: i32) -> (i32, i32) {
    %c0_i32 = arith.constant 0 : i32
    %c0_i32_0 = arith.constant 0 : i32
    return %arg0, %c0_i32 : i32, i32
  }
  func.func @transform_2(%arg0: i32) -> (i32, i32) {
    %c0_i32 = arith.constant 0 : i32
    %c0_i32_0 = arith.constant 0 : i32
    return %arg0, %c0_i32 : i32, i32
  }
}

</mosaic_0001>

<sc_bundles>
// kernel: _lookup_add.4.cloned.1.call-start
scs
__scs_entry_jumppad:
0x0: {  	(pc) =	sbr.rel $0x88, $3  }
0x1: {  	(tag) =	ssettag $0x0;
	lr =	simm.s32 $0x1  }
0x2: {  	[smem:$0x3F9E] =	sst lr;
	_ =	strace $0xD0000000  }
0x3: {  	_ = 	snop  }
0x4: {  	_ = 	snop  }
0x5: {  	_ = 	snop  }
0x6: {  	_ = 	snop  }
0x7: {  	_ = 	snop  }
__scs_overlays_trampoline_lowered:
0x8: {  	[smem:$0x3FAD] =	sst s0  }
0x9: {  	[smem:$0x3FAE] =	sst s1  }
0xa: {  	[smem:$0x3FAF] =	sst s2  }
0xb: {  	[smem:$0x3FB0] =	sst s3  }
0xc: {  	[smem:$0x3FB1] =	sst s4  }
0xd: {  	[smem:$0x3FB2] =	sst s5  }
0xe: {  	[smem:$0x3FB3] =	sst s6  }
0xf: {  	[smem:$0x3FB4] =	sst s7  }
0x10: {  	[smem:$0x3FB5] =	sst s8  }
0x11: {  	[smem:$0x3FB6] =	sst s9;
	s0 =	simm.s32 @!p0 $0x0  }
0x12: {  	s1 =	sld [smem:$0x3F9C];
	s0 =	simm.s32 @p0 $0x1  }
0x13: {  	[smem:$0x3FB7] =	sst s0;
	s0 =	simm.s32 @!p1 $0x0  }
0x14: {  	s2 =	sld [smem:$0x3F9B];
	s0 =	simm.s32 @p1 $0x1  }
0x15: {  	[smem:$0x3FB8] =	sst s0;
	s0 =	simm.s32 @!p2 $0x0  }
0x16: {  	s3 =	sld [smem:$0x3FDB];
	s0 =	simm.s32 @p2 $0x1  }
0x17: {  	s4 =	simm.s32 $0x1BF5;
	[smem:$0x3FBA] =	sst s0  }
0x18: {  	s0 =	sld [smem:$0x3F9D];
	_ =	swait.ge [sflag:s4], $0x0  }
0x19: {  	s7 =	sld [smem:$0x3F9E]  }
0x1a: {  	s8 =	sadd.s32 $0xFFFFE003, lr  }
0x1b: {  	s9 =	sadd.s32 $0xFFFFFEF7, lr;
	s5 =	simm.s32 $0xFFFFFFFF;
	p2 =	slt.u32 s8, $0xFFFFF086  }
0x1c: {  	p1 =	slt.u32 s9, $0xF7A;
	s5 =	simm.s32 @!p2 $0x0  }
0x1d: {  	s5 =	simm.s32 @p1 $0x1;
	p0 =	seq.s32 s7, s2  }
0x1e: {  	s7 =	smul.u32 @!p0 $0xF7A, s2;
	p2 =	seq.s32 @!p0 s5, $0x0  }
0x1f: {  	s9 =	smul.u32 $0xF7A, s1;
	s8 =	simm.s32 @!p0 $0x1BF5;
	p2 =	por !p2, p0  }
0x20: {  	[sflag:s8] =	ssyncset.s32 @!p0 $0xFFFFF086;
	s6 =	sadd.s32 @!p0 s3, s7;
	s7 =	simm.s32 @!p0 $0x108  }
0x21: {  	s3 =	sadd.s32 s3, s9;
	s6 =	sadd.s32 @!p0 $0x88, s6;
	s7 =	simm.s32 @p2 $0x1082  }
0x22: {  	[simem:s7], [sflag:s8] =	dma.local @!p0 [hbm:s6], $0xF7A  }
0x23: {  	s9 =	sor.u32 $0xD0000000, s2;
	s6 =	simm.s32 $0x108;
	_ =	swait.ge @!p0 [sflag:s8], $0x0  }
0x24: {  	s3 =	sadd.s32 $0x88, s3;
	s6 =	simm.s32 @!p1 $0x1082;
	[sflag:s4] =	ssyncset.s32 $0xFFFFF086  }
0x25: {  	[simem:s6], [sflag:s4] =	dma.local [hbm:s3], $0xF7A  }
0x26: {  	[smem:$0x3F9E] =	sst s1;
	(tag) =	ssettag s2;
	_ =	strace s9  }
0x27: {  	s1 =	sld [smem:$0x3FAE]  }
0x28: {  	s2 =	sld [smem:$0x3FAF]  }
0x29: {  	s4 =	sld [smem:$0x3FB1]  }
0x2a: {  	p0 =	seq.s32 s5, $0x0;
	s5 =	sld [smem:$0x3FB2]  }
0x2b: {  	s6 =	sld [smem:$0x3FB3]  }
0x2c: {  	s7 =	sld [smem:$0x3FB4]  }
0x2d: {  	s3 =	simm.s32 $0x108;
	s8 =	sld [smem:$0x3FB5]  }
0x2e: {  	s3 =	simm.s32 @!p0 $0x1082;
	s9 =	sld [smem:$0x3FB6]  }
0x2f: {  	lr =	sadd.s32 s0, s3;
	s0 =	sld [smem:$0x3FAD]  }
0x30: {  	s3 =	sld [smem:$0x3FB0]  }
0x31: {  	[smem:$0x3FB9] =	sst s10  }
0x32: {  	s10 =	sld [smem:$0x3FB7];
	_ =	sdelay $0x3  }
0x33: {  	p0 =	seq.s32 s10, $0x1;
	s10 =	sld [smem:$0x3FB9];
	_ =	sdelay $0x3  }
0x34: {  	[smem:$0x3FB9] =	sst s10  }
0x35: {  	s10 =	sld [smem:$0x3FB8];
	_ =	sdelay $0x3  }
0x36: {  	p1 =	seq.s32 s10, $0x1;
	s10 =	sld [smem:$0x3FB9];
	_ =	sdelay $0x3  }
0x37: {  	[smem:$0x3FB9] =	sst s10  }
0x38: {  	s10 =	sld [smem:$0x3FBA]  }
0x39: {  	_ = 	snop;
	(pc) =	sbr.ind lr, $3  }
0x3a: {  	_ = 	snop  }
0x3b: {  	_ = 	snop  }
0x3c: {  	p2 =	seq.s32 s10, $0x1;
	s10 =	sld [smem:$0x3FB9]  }
0x3d: {  	_ =	shalt  }
0x3e: {  	_ =	shalt  }
0x3f: {  	_ =	shalt  }
0x40: {  	_ =	shalt  }
0x41: {  	_ =	shalt  }
0x42: {  	_ =	shalt  }
0x43: {  	_ =	shalt  }
0x44: {  	_ =	shalt  }
0x45: {  	_ =	shalt  }
0x46: {  	_ =	shalt  }
0x47: {  	_ =	shalt  }
0x48: {  	_ =	shalt  }
0x49: {  	_ =	shalt  }
0x4a: {  	_ =	shalt  }
0x4b: {  	_ =	shalt  }
0x4c: {  	_ =	shalt  }
0x4d: {  	_ =	shalt  }
0x4e: {  	_ =	shalt  }
0x4f: {  	_ =	shalt  }
0x50: {  	_ =	shalt  }
0x51: {  	_ =	shalt  }
0x52: {  	_ =	shalt  }
0x53: {  	_ =	shalt  }
0x54: {  	_ =	shalt  }
0x55: {  	_ =	shalt  }
0x56: {  	_ =	shalt  }
0x57: {  	_ =	shalt  }
0x58: {  	_ =	shalt  }
0x59: {  	_ =	shalt  }
0x5a: {  	_ =	shalt  }
0x5b: {  	_ =	shalt  }
0x5c: {  	_ =	shalt  }
0x5d: {  	_ =	shalt  }
0x5e: {  	_ =	shalt  }
0x5f: {  	_ =	shalt  }
0x60: {  	_ =	shalt  }
0x61: {  	_ =	shalt  }
0x62: {  	_ =	shalt  }
0x63: {  	_ =	shalt  }
0x64: {  	_ =	shalt  }
0x65: {  	_ =	shalt  }
0x66: {  	_ =	shalt  }
0x67: {  	_ =	shalt  }
0x68: {  	_ =	shalt  }
0x69: {  	_ =	shalt  }
0x6a: {  	_ =	shalt  }
0x6b: {  	_ =	shalt  }
0x6c: {  	_ =	shalt  }
0x6d: {  	_ =	shalt  }
0x6e: {  	_ =	shalt  }
0x6f: {  	_ =	shalt  }
0x70: {  	_ =	shalt  }
0x71: {  	_ =	shalt  }
0x72: {  	_ =	shalt  }
0x73: {  	_ =	shalt  }
0x74: {  	_ =	shalt  }
0x75: {  	_ =	shalt  }
0x76: {  	_ =	shalt  }
0x77: {  	_ =	shalt  }
0x78: {  	_ =	shalt  }
0x79: {  	_ =	shalt  }
0x7a: {  	_ =	shalt  }
0x7b: {  	_ =	shalt  }
0x7c: {  	_ =	shalt  }
0x7d: {  	_ =	shalt  }
0x7e: {  	_ =	shalt  }
0x7f: {  	_ =	shalt  }
0x80: {  	_ =	shalt  }
0x81: {  	_ =	shalt  }
0x82: {  	_ =	shalt  }
0x83: {  	_ =	shalt  }
0x84: {  	_ =	shalt  }
0x85: {  	_ =	shalt  }
0x86: {  	_ =	shalt  }
0x87: {  	_ =	shalt  }
.Lfunc_end0:
.L_simem_size_0:
called_computation.1_lowered:
.L_overlay_start_0:
0x88: {  	s2 =	sld [smem:$0x3FD9]  }
0x89: {  	s3 =	sld [smem:$0x3FFE];
	_ =	sdelay $0x1  }
0x8a: {  	s1 =	srdreg.scid  }
0x8b: {  	s0 =	sand.u32 $0x1, s1  }
0x8c: {  	s17 =	sshll.u32 s0, $0xA;
	s2 =	sadd.s32 s3, s2  }
0x8d: {  	s2 =	sadd.s32 s2, s17  }
0x8e: {  	[smem:$0x3FC5] =	sst s2  }
0x8f: {  	_ = 	snop  }
0x90: {  	s2 =	sld [smem:$0x3FC9]  }
0x91: {  	s18 =	sld [smem:$0x3FD0];
	(tm) =	ssettm $0x1  }
0x92: {  	s4 =	sld [smem:$0x3FFB];
	_ =	sdelay $0x3  }
0x93: {  	_ =	strace s4  }
0x94: {  	s4 =	sld [smem:$0x3FFC];
	_ =	sdelay $0x3  }
0x95: {  	_ =	strace s4  }
0x96: {  	s4 =	sld [smem:$0x3FFD];
	_ =	sdelay $0x3  }
0x97: {  	_ =	strace s4  }
0x98: {  	_ =	strace $0x8FFFFFFF  }
0x99: {  	s19 =	sld [smem:$0x3FDB];
	_ =	sdelay $0x1  }
0x9a: {  	s5 =	simm.s32 $_scs_section_size  }
0x9b: {  	s6 =	simm.s32 $_size__tile_overlayer_lowered;
	s7 =	simm.s32 $_tile_overlayer_lowered  }
0x9c: {  	s22 =	simm.s32 $0x1BFF;
	s21 =	sshll.u32 s7, $0x1;
	s4 =	sadd.s32 s5, s19  }
0x9d: {  	s8 =	simm.s32 $0x0;
	s20 =	sshll.u32 s6, $0x1;
	s6 =	sadd.s32 s21, s4  }
0x9e: {  	[timem:s8], [sflag:s22] =	dma.local [hbm:s6], s20  }
0x9f: {  	_ =	swait.ge [sflag:s22], s20  }
0xa0: {  	s5 =	ssub.s32 $0x0, s20;
	[sflag:s22] =	ssyncset.done $0x0  }
0xa1: {  	[sflag:s22] =	ssyncadd.s32 s5;
	_ =	sdelay $0x1  }
0xa2: {  	s23 =	simm.s32 $0x1B8B  }
0xa3: {  	_ =	swait.ge [sflag:s23], $0x1  }
0xa4: {  	[sflag:s23] =	ssyncset.done $0x0  }
0xa5: {  	s25 =	simm.s32 $0x1B8E;
	s24 =	sld [smem:$0x3FFE];
	[sflag:s23] =	ssyncadd.s32 $0xFFFFFFFF  }
0xa6: {  	s26 =	simm.s32 $execute0_lowered;
	[smem:$0x3FD2] =	sst s25  }
0xa7: {  	s6 =	sshll.u32 s26, $0x1;
	_ =	strace $0x80000046;
	[dreg:$0x1] =	wrdreg $0xFFFFFFFF  }
0xa8: {  	s28 =	simm.s32 $_size_execute0_lowered;
	s4 =	sadd.s32 s4, s6;
	[dreg:$0x0] =	wrdreg $0x0  }
0xa9: {  	s6 =	sshll.u32 s28, $0x1;
	[dreg:$0x2] =	wrdreg s4  }
0xaa: {  	[dreg:$0x3] =	wrdreg s6  }
0xab: {  	[dreg:$0x4] =	wrdreg $0xC0  }
0xac: {  	_ =	task [dreg:s8], $0x5FFFF  }
0xad: {  	[dreg:$0x1] =	wrdreg $0xFFFFFFFF  }
0xae: {  	[dreg:$0x0] =	wrdreg $0x60  }
0xaf: {  	[dreg:$0x2] =	wrdreg s2  }
0xb0: {  	[dreg:$0x3] =	wrdreg s24  }
0xb1: {  	[dreg:$0x4] =	wrdreg s18  }
0xb2: {  	[dreg:$0x5] =	wrdreg $0x9  }
0xb3: {  	_ =	task.clear_ibuf [dreg:s8], $0x6FFFF;
	_ =	strace $0x90000046  }
0xb4: {  	s29 =	simm.s32 $0x9;
	_ =	strace $0x80000048  }
0xb5: {  	_ =	swait.ge [sflag:s29], $0x1  }
0xb6: {  	[sflag:s29] =	ssyncadd.s32 $0xFFFFFFFF  }
0xb7: {  	_ =	strace $0x90000048  }
0xb8: {  	_ =	sfence  }
0xb9: {  	s30 =	sld [smem:$0x0];
	_ =	sdelay $0x2  }
0xba: {  	s31 =	sshll.u32 s1, $0xD;
	s1 =	sshrl.u32 s1, $0x2  }
0xbb: {  	s3 =	sand.u32 $0x4000, s31;
	s1 =	sadd.s32 s1, s30  }
0xbc: {  	s0 =	sor.u32 s3, s0;
	s1 =	sshll.u32 s1, $0x11  }
0xbd: {  	s0 =	sor.u32 s1, s0  }
0xbe: {  	s0 =	sadd.s32 $0x8F2B, s0  }
0xbf: {  	[sflag:s0] =	ssyncadd.remote.s32 $0x1  }
0xc0: {  	_ =	sfence.sel $0xFFFF  }
0xc1: {  	[dreg:$0x0] =	wrdreg $0xFFFFFFFF;
	(pc) =	sbr.abs _section_cstart, $3  }
0xc2: {  	[dreg:$0x1] =	wrdreg $0xFFFFFFFF  }
0xc3: {  	_ =	task.clear_ibuf [dreg:s8], $0x2FFFF;
	_ =	strace $0x9FFFFFFF  }
0xc4: {  	(tm) =	ssettm $0x7FFFFFFF  }
0xc5: {  	_ =	shalt  }
tec
execute0_lowered:
.L_overlay_start_1:
0x0: {  	(tag) =	ssettag $0x1  }
0x1: {  	s6 =	rddreg [dreg:$0x0]  }
0x2: {  	s3 =	rddreg [dreg:$0x1]  }
0x3: {  	s5 =	rddreg [dreg:$0x2]  }
0x4: {  	s2 =	srdreg.scid;
	s1 =	stileid.u32  }
0x5: {  	s0 =	rddreg [dreg:$0x3];
	s8 =	smul.u32 $0xC800, s1  }
0x6: {  	s4 =	sand.u32 $0x1, s2;
	s2 =	simm.s32 $0x0;
	s30 =	smul.u32 $0x32000, s1  }
0x7: {  	s3 =	sadd.s32 $0x800, s3;
	s7 =	ssub.s32 $0x2, s4;
	s10 =	smul.u32 $0x6400, s4  }
0x8: {  	[smem:$0x7FF] =	sst s2;
	s11 =	smul.u32 $0x19000, s4;
	s9 =	sshrl.u32 s7, $0x1  }
0x9: {  	_ =	strace $0x80000047;
	s5 =	sadd.s32 s30, s5;
	s7 =	ssub.s32 s7, s9  }
0xa: {  	s8 =	sadd.s32 s10, s8;
	s5 =	sadd.s32 s11, s5;
	s9 =	simm.s32 $0x1  }
0xb: {  	s10 =	simm.s32 $0x0;
	s4 =	smax.u32 s7, $0x1;
	s31 =	sshrl.u32 s8, $0x3  }
0xc: {  	s7 =	simm.s32 $0x2;
	s8 =	simm.s32 $0xC80;
	s6 =	sadd.s32 s31, s6  }
.LBB2_1:
0xd: {  	s11 =	sadd.s32 $0x0, s6  }
0xe: {  	[tilespmem:s2], [sflag:$0x2] =	stream.linear.gather [hbm4b:s11+s2], $0xC80, $0x38;
	[tilespmem:$0x19C80] =	vst v63  }
0xf: {  	_ =	swait.ge [sflag:s7], $0xC80  }
0x10: {  	[sflag:s7] =	ssyncset.done $0x0  }
0x11: {  	[sflag:s7] =	ssyncadd.s32 $0xFFFFF380  }
0x12: {  	[tilespmem:s8], [sflag:$0x1] =	stream.indirect.gather [hbm4b:s3+s8], $0x20, s2, s8, $0xb8;
	[tilespmem:$0x19C80] =	vst v63  }
0x13: {  	_ =	swait.ge [sflag:s9], $0x19000  }
0x14: {  	[sflag:s9] =	ssyncset.done $0x0  }
0x15: {  	[sflag:s9] =	ssyncadd.s32 $0xFFFE7000  }
0x16: {  	[hbm4b:s5+s2] =	stream.linear.scatter [tilespmem:s8], [sflag:$0x2], $0x19000, $0x38;
	[tilespmem:$0x19C80] =	vst v63  }
0x17: {  	s12 =	simm.s32 $0x190;
	_ =	swait.ge [sflag:s7], $0x19000  }
0x18: {  	s13 =	simm.s32 $0x320;
	s11 =	sadd.s32 $0x3200, s5;
	[sflag:s7] =	ssyncset.done $0x0  }
.LBB2_2:
0x19: {  	s14 =	sadd.s32 s12, s6  }
0x1a: {  	[sflag:s7] =	ssyncadd.s32 $0xFFFE7000;
	s12 =	smov.u32 s13;
	s15 =	sadd.s32 $0x190, s13  }
0x1b: {  	[tilespmem:s2], [sflag:$0x2] =	stream.linear.gather [hbm4b:s14+s2], $0xC80, $0x38;
	[tilespmem:$0x19C80] =	vst v63  }
0x1c: {  	p0 =	sne.s32 s13, $0xAF0;
	_ =	swait.ge [sflag:s7], $0xC80  }
0x1d: {  	[sflag:s7] =	ssyncset.done $0x0  }
0x1e: {  	[sflag:s7] =	ssyncadd.s32 $0xFFFFF380  }
0x1f: {  	[tilespmem:s8], [sflag:$0x1] =	stream.indirect.gather [hbm4b:s3+s8], $0x20, s2, s8, $0xb8;
	[tilespmem:$0x19C80] =	vst v63  }
0x20: {  	_ =	swait.ge [sflag:s9], $0x19000  }
.Ltmp0:
0x21: {  	[sflag:s9] =	ssyncset.done $0x0;
	(pc) =	sbr.rel @p0 .LBB2_2-.Ltmp0, $4  }
0x22: {  	[sflag:s9] =	ssyncadd.s32 $0xFFFE7000  }
0x23: {  	[hbm4b:s11+s2] =	stream.linear.scatter [tilespmem:s8], [sflag:$0x2], $0x19000, $0x38;
	[tilespmem:$0x19C80] =	vst v63  }
0x24: {  	_ =	swait.ge [sflag:s7], $0x19000  }
0x25: {  	s13 =	smov.u32 s15;
	s11 =	sadd.s32 $0x3200, s11;
	[sflag:s7] =	ssyncset.done $0x0  }
0x26: {  	s12 =	sadd.s32 s12, s6;
	[sflag:s7] =	ssyncadd.s32 $0xFFFE7000  }
0x27: {  	[tilespmem:s2], [sflag:$0x2] =	stream.linear.gather [hbm4b:s12+s2], $0xC80, $0x38;
	[tilespmem:$0x19C80] =	vst v63  }
0x28: {  	_ =	swait.ge [sflag:s7], $0xC80  }
0x29: {  	[sflag:s7] =	ssyncset.done $0x0  }
0x2a: {  	[sflag:s7] =	ssyncadd.s32 $0xFFFFF380  }
0x2b: {  	[tilespmem:s8], [sflag:$0x1] =	stream.indirect.gather [hbm4b:s3+s8], $0x20, s2, s8, $0xb8;
	[tilespmem:$0x19C80] =	vst v63  }
0x2c: {  	s10 =	sadd.s32 $0x1, s10;
	_ =	swait.ge [sflag:s9], $0x19000  }
0x2d: {  	p0 =	sne.s32 s10, s4;
	[sflag:s9] =	ssyncset.done $0x0  }
.Ltmp1:
0x2e: {  	[sflag:s9] =	ssyncadd.s32 $0xFFFE7000;
	(pc) =	sbr.rel @p0 .LBB2_1-.Ltmp1, $4  }
0x2f: {  	[hbm4b:s11+s2] =	stream.linear.scatter [tilespmem:s8], [sflag:$0x2], $0x19000, $0x38;
	[tilespmem:$0x19C80] =	vst v63  }
0x30: {  	_ =	swait.ge [sflag:s7], $0x19000  }
0x31: {  	[sflag:s7] =	ssyncset.done $0x0  }
0x32: {  	[sflag:s7] =	ssyncadd.s32 $0xFFFE7000  }
0x33: {  	_ =	sfence.sel $0x180000  }
0x34: {  	[bflag:$0x0] =	sbarrier.arrive $0xFFFF  }
0x35: {  	p0 =	sne.s32 s1, $0x0;
	_ =	strace $0x90000047  }
0x36: {  	s0 =	sadd.s32 @!p0 $0x100000, s0;
	[bflag:$0x2] =	sbarrier.arrive $0xFFFF  }
0x37: {  	[sflag:s0] =	ssyncadd.tile.s32 @!p0 $0x1;
	_ =	shalt  }
.Lfunc_end2:
_tile_overlayer_lowered:
.L_overlay_start_2:
0x38: {  	(tag) =	ssettag $0x2  }
0x39: {  	s0 =	rddreg [dreg:$0x0];
	s2 =	stileid.u32  }
0x3a: {  	s1 =	rddreg [dreg:$0x1];
	p0 =	sne.s32 s2, $0x0  }
0x3b: {  	s3 =	rddreg [dreg:$0x2];
	[bflag:$0x3] =	sbarrier.arrive $0xFFFF;
	s2 =	simm.s32 @!p0 $0x1C02  }
0x3c: {  	[timem:s3], [sflag:s2] =	dma.local @!p0 [hbm:s0], s1  }
0x3d: {  	s0 =	simm.s32 @!p0 $0x2  }
0x3e: {  	_ =	swait.ge @!p0 [sflag:s0], s1  }
0x3f: {  	s1 =	ssub.s32 @!p0 $0x0, s1;
	[sflag:s0] =	ssyncset.done @!p0 $0x0  }
0x40: {  	[sflag:s0] =	ssyncadd.s32 @!p0 s1  }
0x41: {  	[bflag:$0x3] =	sbarrier.arrive $0xFFFF  }
0x42: {  	_ =	shalt  }

// kernel: sparse-core-data-format-call.cloned.1.call-start
scs
called_computation_lowered:
.L_overlay_start_0:
0x0: {  	s2 =	sld [smem:$0x3FD9]  }
0x1: {  	s3 =	sld [smem:$0x3FFE];
	_ =	sdelay $0x1  }
0x2: {  	s1 =	srdreg.scid  }
0x3: {  	s0 =	sand.u32 $0x1, s1  }
0x4: {  	s18 =	sshll.u32 s0, $0xA;
	s2 =	sadd.s32 s3, s2  }
0x5: {  	s2 =	sadd.s32 s2, s18  }
0x6: {  	[smem:$0x3FC5] =	sst s2  }
0x7: {  	_ = 	snop  }
0x8: {  	s2 =	sld [smem:$0x3FD0];
	(tm) =	ssettm $0x1  }
0x9: {  	s19 =	sld [smem:$0x3FFB];
	_ =	sdelay $0x3  }
0xa: {  	_ =	strace s19  }
0xb: {  	s3 =	sld [smem:$0x3FFC];
	_ =	sdelay $0x3  }
0xc: {  	_ =	strace s3  }
0xd: {  	s3 =	sld [smem:$0x3FFD];
	_ =	sdelay $0x3  }
0xe: {  	_ =	strace s3  }
0xf: {  	_ =	strace $0x8FFFFFFF  }
0x10: {  	s20 =	sld [smem:$0x3FDB];
	_ =	sdelay $0x1  }
0x11: {  	s4 =	simm.s32 $_scs_section_size  }
0x12: {  	s5 =	simm.s32 $_size__tile_overlayer_lowered;
	s6 =	simm.s32 $_tile_overlayer_lowered  }
0x13: {  	s23 =	simm.s32 $0x1BFF;
	s22 =	sshll.u32 s6, $0x1;
	s3 =	sadd.s32 s4, s20  }
0x14: {  	s7 =	simm.s32 $0x0;
	s21 =	sshll.u32 s5, $0x1;
	s5 =	sadd.s32 s22, s3  }
0x15: {  	[timem:s7], [sflag:s23] =	dma.local [hbm:s5], s21  }
0x16: {  	_ =	swait.ge [sflag:s23], s21  }
0x17: {  	s4 =	ssub.s32 $0x0, s21;
	[sflag:s23] =	ssyncset.done $0x0  }
0x18: {  	[sflag:s23] =	ssyncadd.s32 s4;
	_ =	sdelay $0x1  }
0x19: {  	s24 =	simm.s32 $0x1B8B  }
0x1a: {  	_ =	swait.ge [sflag:s24], $0x1  }
0x1b: {  	[sflag:s24] =	ssyncset.done $0x0  }
0x1c: {  	s26 =	simm.s32 $0x1B8E;
	s25 =	sld [smem:$0x3FFE];
	[sflag:s24] =	ssyncadd.s32 $0xFFFFFFFF  }
0x1d: {  	s27 =	simm.s32 $execute0_lowered;
	[smem:$0x3FD2] =	sst s26  }
0x1e: {  	s5 =	sshll.u32 s27, $0x1;
	_ =	strace $0x80000049;
	[dreg:$0x1] =	wrdreg $0xFFFFFFFF  }
0x1f: {  	s28 =	simm.s32 $_size_execute0_lowered;
	s3 =	sadd.s32 s3, s5;
	[dreg:$0x0] =	wrdreg $0x0  }
0x20: {  	s5 =	sshll.u32 s28, $0x1;
	[dreg:$0x2] =	wrdreg s3  }
0x21: {  	[dreg:$0x3] =	wrdreg s5  }
0x22: {  	[dreg:$0x4] =	wrdreg $0xC0  }
0x23: {  	_ =	task [dreg:s7], $0x5FFFF  }
0x24: {  	[dreg:$0x1] =	wrdreg $0xFFFFFFFF  }
0x25: {  	[dreg:$0x0] =	wrdreg $0x60  }
0x26: {  	[dreg:$0x2] =	wrdreg s25  }
0x27: {  	[dreg:$0x3] =	wrdreg s2  }
0x28: {  	[dreg:$0x4] =	wrdreg $0x9  }
0x29: {  	_ =	task.clear_ibuf [dreg:s7], $0x5FFFF;
	_ =	strace $0x90000049  }
0x2a: {  	s29 =	simm.s32 $0x9;
	_ =	strace $0x8000004B  }
0x2b: {  	_ =	swait.ge [sflag:s29], $0x1  }
0x2c: {  	[sflag:s29] =	ssyncadd.s32 $0xFFFFFFFF  }
0x2d: {  	_ =	strace $0x9000004B  }
0x2e: {  	_ =	sfence  }
0x2f: {  	s30 =	sld [smem:$0x0];
	_ =	sdelay $0x2  }
0x30: {  	s31 =	sshll.u32 s1, $0xD;
	s1 =	sshrl.u32 s1, $0x2  }
0x31: {  	s3 =	sand.u32 $0x4000, s31;
	s1 =	sadd.s32 s1, s30  }
0x32: {  	s0 =	sor.u32 s3, s0;
	s1 =	sshll.u32 s1, $0x11  }
0x33: {  	s0 =	sor.u32 s1, s0  }
0x34: {  	s0 =	sadd.s32 $0x8F2B, s0  }
0x35: {  	[sflag:s0] =	ssyncadd.remote.s32 $0x1  }
0x36: {  	_ =	sfence.sel $0xFFFF  }
0x37: {  	[dreg:$0x0] =	wrdreg $0xFFFFFFFF;
	(pc) =	sbr.abs _section_cstart, $3  }
0x38: {  	[dreg:$0x1] =	wrdreg $0xFFFFFFFF  }
0x39: {  	_ =	task.clear_ibuf [dreg:s7], $0x2FFFF;
	_ =	strace $0x9FFFFFFF  }
0x3a: {  	(tm) =	ssettm $0x7FFFFFFF  }
0x3b: {  	_ =	shalt  }
tec
execute0_lowered:
.L_overlay_start_1:
0x0: {  	(tag) =	ssettag $0x1  }
0x1: {  	s0 =	srdreg.scid  }
0x2: {  	s1 =	sshll.u32 s0, $0x4  }
0x3: {  	s4 =	rddreg [dreg:$0x0];
	s0 =	stileid.u32;
	s1 =	sand.u32 $0x10, s1  }
0x4: {  	s2 =	rddreg [dreg:$0x1];
	s7 =	simm.s32 $0x1;
	s1 =	sor.u32 s0, s1  }
0x5: {  	s8 =	simm.s32 $0x2;
	s11 =	simm.s32 $0x0;
	s3 =	sshll.u32 s1, $0x7  }
0x6: {  	s10 =	simm.s32 $0x0;
	s4 =	sadd.s32 $0x800, s4;
	s6 =	ssub.s32 $0xC8000, s3  }
.Ltmp0:
0x7: {  	s1 =	rddreg [dreg:$0x2];
	s5 =	sand.u32 $0xF80, s6;
	(pc) =	sbr.rel .LBB1_1-.Ltmp0, $4  }
0x8: {  	_ =	strace $0x8000004A;
	s9 =	smov.u32 s3;
	p0 =	sne.s32 s5, $0x0  }
0x9: {  	s6 =	sshrl.u32 s6, $0xC;
	s5 =	simm.s32 $0x1;
	s7 =	simm.s32 @!p0 $0x0  }
0xa: {  	[sflag:s5] =	ssyncpa.u1 $0x0;
	p0 =	por $0x0, $0x0;
	s6 =	sadd.s32 s7, s6  }
0xb: {  	[sflag:s8] =	ssyncpa.u1 $0x0;
	s8 =	simm.s32 $0x640000;
	s7 =	sadd.s32 $0x1, s6  }
.LBB1_4:
0xc: {  	s14 =	sshll.u32 s11, $0x3  }
0xd: {  	s30 =	sand.u32 $0x7F, s11;
	s15 =	sand.u32 $0xFFFFFC00, s14  }
0xe: {  	s11 =	sor.u32 s30, s15  }
0xf: {  	s15 =	smulhi.u32 $0x51EB851F, s11  }
0x10: {  	s14 =	smulhi.u32 $0x51EB851F, s14  }
0x11: {  	s15 =	sshrl.u32 s15, $0x12  }
0x12: {  	s14 =	sshrl.u32 s14, $0x12;
	s15 =	smul.u32 $0xC8000, s15  }
0x13: {  	s14 =	sand.u32 $0x1F, s14  }
0x14: {  	s14 =	smul.u32 $0x19000, s14;
	s11 =	ssub.s32 s11, s15  }
0x15: {  	s15 =	sand.u32 $0x7, s11  }
0x16: {  	s14 =	sadd.s32 s2, s14;
	s11 =	sshrl.u32 s11, $0x3;
	s15 =	sshll.u32 s15, $0x12  }
0x17: {  	[tilespmem:s13+$0x0 ss:$0x81] =	vst.msk $0xffff, v0;
	s11 =	sadd.s32 s11, s14;
	s31 =	sor.u32 $0x400, s15  }
0x18: {  	[hbm4b:s11+s31] =	stream.strided.scatter [tilespmem:s12], [sflag:$0x2], $0x1000, s8, s31, $0x20;
	[tilespmem:$0x4040] =	vst v63  }
.LBB1_5:
0x19: {  	s13 =	sadd.s32 $0x1000, s9  }
0x1a: {  	p2 =	sgt.s32 s13, $0xC7FFF  }
0x1b: {  	s13 =	smov.u32 @p2 s3;
	p2 =	sne.s32 s10, s7  }
.Ltmp1:
0x1c: {  	p1 =	slt.u32 s10, $0x2;
	(pc) =	sbr.rel @!p2 .LBB1_6-.Ltmp1, $4  }
0x1d: {  	s12 =	simm.s32 @!p1 $0x2  }
0x1e: {  	s14 =	sadd.s32 $0x1, s10;
	_ =	swait.ge @!p1 [sflag:s12], $0x1000  }
0x1f: {  	s11 =	smov.u32 s9;
	p0 =	por !p0, !p0;
	[sflag:s12] =	ssyncset.done @!p1 $0x0  }
0x20: {  	s10 =	smov.u32 s14;
	s9 =	smov.u32 s13;
	[sflag:s12] =	ssyncadd.s32 @!p1 $0xFFFFF000  }
.LBB1_1:
0x21: {  	p1 =	sge.u32 s10, s6  }
0x22: {  	s12 =	sand.u32 @!p1 $0x1FFFFFF, s9  }
0x23: {  	s13 =	smulhi.u32 @!p1 $0x147AE15, s12;
	_ =	sdelay $0x1  }
0x24: {  	s13 =	sshrl.u32 @!p1 s13, $0xC  }
0x25: {  	s13 =	smul.u32 @!p1 $0xC8000, s13;
	_ =	sdelay $0x1  }
0x26: {  	s31 =	sadd.s32 $0xFFFFFFFF, s10;
	s14 =	sxor.u32 @!p1 $0xFFFFFFFF, s10;
	s12 =	ssub.s32 @!p1 s12, s13  }
0x27: {  	s15 =	simm.s32 @!p1 $0x80;
	s14 =	sshll.u32 @!p1 s14, $0xC;
	s12 =	sshll.u32 @!p1 s12, $0x4  }
0x28: {  	s13 =	sand.u32 @!p1 $0x1000, s14;
	s14 =	simm.s32 @!p1 $0x20;
	s12 =	sadd.s32 @!p1 s4, s12  }
0x29: {  	[tilespmem:s13], [sflag:$0x1] =	stream.strided.gather @!p1 [hbm4b:s12+s14], $0x1000, s15, s14, $0x38;
	[tilespmem:$0x4040] =	vst v63  }
0x2a: {  	p1 =	sge.u32 s31, s6  }
.Ltmp2:
0x2b: {  	_ = 	snop;
	(pc) =	sbr.rel @p1 .LBB1_5-.Ltmp2, $1  }
0x2c: {  	_ =	sdelay $0x3  }
0x2d: {  	s12 =	simm.s32 $0x1  }
0x2e: {  	_ =	swait.ge [sflag:s5], $0x1000;
	s12 =	simm.s32 @!p0 $0x0  }
0x2f: {  	[sflag:s5] =	ssyncset.done $0x0;
	s13 =	sshll.u32 s12, $0xC  }
0x30: {  	[sflag:s5] =	ssyncadd.s32 $0xFFFFF000;
	s16 =	sor.u32 $0x10, s13  }
0x31: {  	s12 =	smul.u32 $0x4080, s12;
	v1 =	vld [tilespmem:s16+$0x0]  }
0x32: {  	s30 =	sand.u32 $0x1, s10;
	v0 =	vld [tilespmem:s16+$0xFFFFFFF0]  }
0x33: {  	s13 =	smul.u32 $0x4080, s30;
	s12 =	sshrl.u32 s12, $0x2  }
0x34: {  	s14 =	sor.u32 $0x2000, s12  }
0x35: {  	s31 =	sshrl.u32 s13, $0x2;
	s13 =	sadd.s32 $0x0, s14  }
0x36: {  	s15 =	simm.s32 $0x4;
	s16 =	sadd.s32 $0x20, s16;
	s12 =	sor.u32 $0x2000, s31;
	[tilespmem:s13+$0x810 ss:$0x81] =	vst.msk $0xffff, v1  }
.LBB1_3:
0x37: {  	v1 =	vld [tilespmem:s16+$0x0];
	p1 =	sne.s32 s15, $0x1FC;
	[tilespmem:s13+$0x0 ss:$0x81] =	vst.msk $0xffff, v0;
	s13 =	smov.u32 s15;
	s15 =	sadd.s32 $0x4, s15  }
.Ltmp3:
0x38: {  	v0 =	vld [tilespmem:s16+$0xFFFFFFF0];
	(pc) =	sbr.rel @p1 .LBB1_3-.Ltmp3, $4  }
0x39: {  	_ = 	snop  }
0x3a: {  	s13 =	sshra.s32 s13, $0x2  }
0x3b: {  	s13 =	sadd.s32 s13, s14  }
0x3c: {  	s16 =	sadd.s32 $0x20, s16;
	[tilespmem:s13+$0x810 ss:$0x81] =	vst.msk $0xffff, v1  }
.Ltmp4:
0x3d: {  	_ = 	snop;
	(pc) =	sbr.rel .LBB1_4-.Ltmp4, $1  }
0x3e: {  	_ =	sdelay $0x3  }
.LBB1_6:
0x3f: {  	_ =	sfence.sel $0x180000  }
0x40: {  	s2 =	simm.s32 $0x1;
	[bflag:$0x0] =	sbarrier.arrive $0xFFFF  }
0x41: {  	s31 =	simm.s32 $0x2;
	[sflag:s2] =	ssyncpa.u1 $0x1  }
0x42: {  	[sflag:s31] =	ssyncpa.u1 $0x1  }
0x43: {  	p0 =	sne.s32 s0, $0x0;
	_ =	strace $0x9000004A  }
0x44: {  	s0 =	sadd.s32 @!p0 $0x100000, s1;
	[bflag:$0x2] =	sbarrier.arrive $0xFFFF  }
0x45: {  	[sflag:s0] =	ssyncadd.tile.s32 @!p0 $0x1;
	_ =	shalt  }
.Lfunc_end1:
_tile_overlayer_lowered:
.L_overlay_start_2:
0x46: {  	(tag) =	ssettag $0x2  }
0x47: {  	s0 =	rddreg [dreg:$0x0];
	s2 =	stileid.u32  }
0x48: {  	s1 =	rddreg [dreg:$0x1];
	p0 =	sne.s32 s2, $0x0  }
0x49: {  	s3 =	rddreg [dreg:$0x2];
	[bflag:$0x3] =	sbarrier.arrive $0xFFFF;
	s2 =	simm.s32 @!p0 $0x1C01  }
0x4a: {  	[timem:s3], [sflag:s2] =	dma.local @!p0 [hbm:s0], s1  }
0x4b: {  	s0 =	simm.s32 @!p0 $0x1  }
0x4c: {  	_ =	swait.ge @!p0 [sflag:s0], s1  }
0x4d: {  	s1 =	ssub.s32 @!p0 $0x0, s1;
	[sflag:s0] =	ssyncset.done @!p0 $0x0  }
0x4e: {  	[sflag:s0] =	ssyncadd.s32 @!p0 s1  }
0x4f: {  	[bflag:$0x3] =	sbarrier.arrive $0xFFFF  }
0x50: {  	_ =	shalt  }

</sc_bundles>
